<compile_context>
chip_gen: v7x
topology: tpu7x:2x2x1
jax: 0.10.2.dev20260603
libtpu: 0.0.44.dev20260713+nightly
codegen_flags: <defaults>
</compile_context>

<pallas_src>
import functools

import jax
import jax.numpy as jnp
from jax import lax
from jax.experimental import pallas as pl
from jax.experimental.pallas import tpu as pltpu
from jax.experimental.pallas import tpu_sc as plsc

_VOCAB = 100000
_EMB = 64
_NCTX = 10
_B = 4096
_HID = 128
_NIDX = _B * _NCTX

_EMBP = 128

_BT = 256
_VT = 2048
_NB = _B // _BT
_NV = -(-_VOCAB // _VT)
_VPAD = _NV * _VT - _VOCAB

_NBUF = 8
_LAST = -(-(_VOCAB - _VT) // 128) * 128


def _sc_gather(emb_pad, idx_flat):
    info = plsc.get_sparse_core_info()
    nc, ns = info.num_cores, info.num_subcores
    nw = nc * ns
    bpw = _NIDX // nw
    chunk = bpw // 2
    mesh = plsc.VectorSubcoreMesh(core_axis_name="c", subcore_axis_name="s")

    @functools.partial(
        pl.kernel,
        mesh=mesh,
        out_type=jax.ShapeDtypeStruct((_NIDX, _EMBP), jnp.float32),
        scratch_types=[
            pltpu.VMEM((chunk,), jnp.int32),
            pltpu.VMEM((chunk, _EMBP), jnp.float32),
            pltpu.SemaphoreType.DMA,
        ],
    )
    def gather_k(table_hbm, idx_hbm, out_hbm, idx_v, rows_v, sem):
        wid = lax.axis_index("s") * nc + lax.axis_index("c")
        base = wid * bpw
        for j in range(bpw // chunk):
            cb = base + j * chunk
            pltpu.sync_copy(idx_hbm.at[pl.ds(cb, chunk)], idx_v)
            pltpu.async_copy(table_hbm.at[idx_v], rows_v, sem).wait()
            pltpu.sync_copy(rows_v, out_hbm.at[pl.ds(cb, chunk)])

    return gather_k(emb_pad, idx_flat)


def _pass1(embeds, W1e, b1r, W2bp, b2p):

    def body(emb_ref, w1_ref, b1_ref, w2_ref, b2_ref, x1_ref, l_ref):
        v = pl.program_id(0)
        b = pl.program_id(1)

        @pl.when((v == 0) & (b == 0))
        def _init():
            x = jnp.dot(emb_ref[...], w1_ref[...],
                        preferred_element_type=jnp.float32) + b1_ref[...]
            x1_ref[...] = jnp.maximum(x, 0.0).astype(jnp.bfloat16)
            l_ref[...] = jnp.zeros((_B, 1), jnp.float32)

        rows = pl.ds(b * _BT, _BT)
        logits = jnp.dot(x1_ref[rows, :], w2_ref[...],
                         preferred_element_type=jnp.float32) + b2_ref[...]
        l_ref[rows, :] += jnp.sum(jnp.exp(logits), axis=1, keepdims=True)

    return pl.pallas_call(
        body,
        grid=(_NV, _NB),
        in_specs=[
            pl.BlockSpec((_B, _NCTX * _EMBP), lambda v, b: (0, 0)),
            pl.BlockSpec((_NCTX * _EMBP, _HID), lambda v, b: (0, 0)),
            pl.BlockSpec((1, _HID), lambda v, b: (0, 0)),
            pl.BlockSpec((_HID, _VT), lambda v, b: (0, v)),
            pl.BlockSpec((1, _VT), lambda v, b: (0, v)),
        ],
        out_specs=[
            pl.BlockSpec((_B, _HID), lambda v, b: (0, 0)),
            pl.BlockSpec((_B, 1), lambda v, b: (0, 0)),
        ],
        out_shape=[
            jax.ShapeDtypeStruct((_B, _HID), jnp.bfloat16),
            jax.ShapeDtypeStruct((_B, 1), jnp.float32),
        ],
    )(embeds, W1e, b1r, W2bp, b2p)


def _pass2(x1, W2ov, b2ov, l):
    nsteps = _NV * _NB

    def col_off(v):
        return jnp.minimum(v * _VT, _LAST)

    def body(x1_ref, w2_ref, b2_ref, l_ref, out_ref, buf, sems):
        v = pl.program_id(0)
        b = pl.program_id(1)
        s = v * _NB + b
        slot = lax.rem(s, _NBUF)

        @pl.when(s >= _NBUF)
        def _wait_prev():
            sp = s - _NBUF
            vp = sp // _NB
            bp = sp - vp * _NB
            pltpu.make_async_copy(
                buf.at[slot],
                out_ref.at[pl.ds(bp * _BT, _BT), pl.ds(col_off(vp), _VT)],
                sems.at[slot]).wait()

        rows = pl.ds(b * _BT, _BT)
        logits = jnp.dot(x1_ref[rows, :], w2_ref[...],
                         preferred_element_type=jnp.float32) + b2_ref[...]
        buf[slot] = logits - jnp.log(l_ref[rows, :])
        pltpu.make_async_copy(
            buf.at[slot],
            out_ref.at[rows, pl.ds(col_off(v), _VT)],
            sems.at[slot]).start()

        @pl.when(s == nsteps - 1)
        def _drain():
            for k in range(_NBUF):
                sk = nsteps - _NBUF + k
                vk, bk = sk // _NB, sk % _NB
                ck = col_off(jnp.int32(vk))
                pltpu.make_async_copy(
                    buf.at[sk % _NBUF],
                    out_ref.at[pl.ds(bk * _BT, _BT), pl.ds(ck, _VT)],
                    sems.at[sk % _NBUF]).wait()

    return pl.pallas_call(
        body,
        grid=(_NV, _NB),
        in_specs=[
            pl.BlockSpec((_B, _HID), lambda v, b: (0, 0)),
            pl.BlockSpec((_HID, _VT), lambda v, b: (0, v)),
            pl.BlockSpec((1, _VT), lambda v, b: (0, v)),
            pl.BlockSpec((_B, 1), lambda v, b: (0, 0)),
        ],
        out_specs=pl.BlockSpec(memory_space=pl.ANY),
        out_shape=jax.ShapeDtypeStruct((_B, _VOCAB), jnp.float32),
        scratch_shapes=[
            pltpu.VMEM((_NBUF, _BT, _VT), jnp.float32),
            pltpu.SemaphoreType.DMA((_NBUF,)),
        ],
    )(x1, W2ov, b2ov, l)


def kernel(inputs, emb, W1, b1, W2, b2):
    idx_flat = inputs.reshape(-1)
    emb_pad = jnp.pad(emb, ((0, 0), (0, _EMBP - _EMB)))
    embeds = _sc_gather(emb_pad, idx_flat).reshape(
        _B, _NCTX * _EMBP).astype(jnp.bfloat16)
    W1e = jnp.pad(W1.reshape(_NCTX, _EMB, _HID),
                  ((0, 0), (0, _EMBP - _EMB), (0, 0))).reshape(
                      _NCTX * _EMBP, _HID).astype(jnp.bfloat16)
    b1r = b1.reshape(1, _HID)
    W2b = W2.astype(jnp.bfloat16)
    W2bp = jnp.pad(W2b, ((0, 0), (0, _VPAD)))
    b2p = jnp.concatenate(
        [b2, jnp.full((_VPAD,), -1e30, jnp.float32)]).reshape(1, -1)
    split = (_NV - 1) * _VT
    tailw = _LAST + _VT - _VOCAB
    W2ov = jnp.concatenate(
        [W2b[:, :split], W2b[:, _LAST:],
         jnp.zeros((_HID, tailw), jnp.bfloat16)], axis=1)
    b2ov = jnp.concatenate(
        [b2[:split], b2[_LAST:], jnp.zeros((tailw,), jnp.float32)]
    ).reshape(1, -1)
    x1, l = _pass1(embeds, W1e, b1r, W2bp, b2p)
    return _pass2(x1, W2ov, b2ov, l)

# --- scband reference (transcript-rebuilt; emitter-appended) ---
"""Pipeline reference for scband-cbow-9182640078956 (READ-ONLY COPY).

The authoritative reference and input builder live on the scoring server;
editing this copy changes nothing except your own understanding.
"""

import jax, jax.numpy as jnp
import numpy as np

VOCAB = 100000
EMB = 64
CTX = 5
B = 4096
HID = 128
PAD_IDX = 0


def setup_inputs(seed: int = 0) -> dict:
    key = jax.random.key(seed)
    k1, k2, k3, k4, k5 = jax.random.split(key, 5)
    inputs = jax.random.randint(k1, (B, 2 * CTX), 0, VOCAB, dtype=jnp.int32)
    emb = jax.random.normal(k2, (VOCAB, EMB), dtype=jnp.float32) * 0.02
    emb = emb.at[PAD_IDX].set(0.0)  # padding_idx row zeroed
    W1 = jax.random.normal(k3, (2 * CTX * EMB, HID), dtype=jnp.float32) * 0.02
    b1 = jnp.zeros((HID,), dtype=jnp.float32)
    W2 = jax.random.normal(k4, (HID, VOCAB), dtype=jnp.float32) * 0.02
    b2 = jnp.zeros((VOCAB,), dtype=jnp.float32)
    return {"inputs": inputs, "emb": emb, "W1": W1, "b1": b1, "W2": W2, "b2": b2}


def reference(inputs, emb, W1, b1, W2, b2):
    # embedding lookup (gather) then flatten: (B, 2*CTX, EMB) -> (B, 2*CTX*EMB)
    embeds = jnp.take(emb, inputs, axis=0).reshape(inputs.shape[0], -1)
    x = embeds @ W1 + b1
    x = jax.nn.relu(x)
    x = x @ W2 + b2
    log_probs = jax.nn.log_softmax(x, axis=1)
    return log_probs

if __name__ == "__main__":
    import jax
    _d = setup_inputs()
    print(jax.jit(kernel)(*tuple(_d.values())))

</pallas_src>

<mosaic_0001>
#map = affine_map<(d0, d1) -> (0, 0)>
#map1 = affine_map<(d0, d1) -> (0)>
module attributes {stable_mosaic.version = 14 : i64} {
  func.func @gather_k(%arg0: i32, %arg1: i32, %arg2: memref<100000x128xf32, #tpu.memory_space<hbm>>, %arg3: memref<40960xi32, #tpu.memory_space<hbm>>, %arg4: memref<40960x128xf32, #tpu.memory_space<hbm>>, %arg5: memref<640xi32, #tpu.memory_space<vmem>>, %arg6: memref<640x128xf32, #tpu.memory_space<vmem>>, %arg7: memref<!tpu.dma_semaphore, #tpu.memory_space<semaphore_mem>>) attributes {dimension_semantics = [#tpu.dimension_semantics<core_parallel>, #tpu.dimension_semantics<subcore_parallel>], iteration_bounds = array<i64: 2, 16>, scalar_prefetch = 0 : i64, scratch_operands = 3 : i64, tpu.core_type = #tpu.core_type<sc_vector_subcore>, window_params = [{transform_indices = #map}, {transform_indices = #map1}, {transform_indices = #map}]} {
    %mul3A = arith.constant 2 : i32
    %mul3A_0 = arith.muli %arg1, %mul3A : i32
    %add3A = arith.addi %mul3A_0, %arg0 : i32
    %mul3A_1 = arith.constant 1280 : i32
    %mul3A_2 = arith.muli %add3A, %mul3A_1 : i32
    %add3A_3 = arith.constant 0 : i32
    %add3A_4 = arith.addi %mul3A_2, %add3A_3 : i32
    "tpu.region"() ({
      %run_scoped3A = tpu.sem_alloc : memref<!tpu.dma_semaphore, #tpu.memory_space<semaphore_mem>>
      %dma_start3A_17 = tpu.memref_slice %arg3[%add3A_4] : memref<40960xi32, #tpu.memory_space<hbm>> -> memref<640xi32, #tpu.memory_space<hbm>>
      %dma_start3A_18 = tpu.memref_slice %arg3[%add3A_4] : memref<40960xi32, #tpu.memory_space<hbm>> -> memref<640xi32, #tpu.memory_space<hbm>>
      tpu.enqueue_dma source(%dma_start3A_18 : memref<640xi32, #tpu.memory_space<hbm>>) target(%arg5 : memref<640xi32, #tpu.memory_space<vmem>>) target_semaphore(%run_scoped3A : memref<!tpu.dma_semaphore, #tpu.memory_space<semaphore_mem>>)
      %dma_wait3A_19 = tpu.memref_slice %arg3[%add3A_4] : memref<40960xi32, #tpu.memory_space<hbm>> -> memref<640xi32, #tpu.memory_space<hbm>>
      %dma_wait3A_20 = tpu.memref_slice %arg3[%add3A_4] : memref<40960xi32, #tpu.memory_space<hbm>> -> memref<640xi32, #tpu.memory_space<hbm>>
      tpu.wait_dma2 semaphore(%run_scoped3A : memref<!tpu.dma_semaphore, #tpu.memory_space<semaphore_mem>>) src(%dma_wait3A_20 : memref<640xi32, #tpu.memory_space<hbm>>) dst(%arg5 : memref<640xi32, #tpu.memory_space<vmem>>)
      tpu.yield
    }) : () -> ()
    %dma_start3A = arith.constant 0 : i32
    %dma_start3A_5 = arith.constant 0 : i32
    %dma_start3A_6 = tpu.memref_slice %arg2[%dma_start3A, %dma_start3A_5] : memref<100000x128xf32, #tpu.memory_space<hbm>> -> memref<100000x128xf32, #tpu.memory_space<hbm>>
    tpu.enqueue_indirect_dma source(%dma_start3A_6 : memref<100000x128xf32, #tpu.memory_space<hbm>>) target(%arg6 : memref<640x128xf32, #tpu.memory_space<vmem>>) offsets(%arg5 : memref<640xi32, #tpu.memory_space<vmem>>) semaphore(%arg7 : memref<!tpu.dma_semaphore, #tpu.memory_space<semaphore_mem>>)
    %dma_wait3A = arith.constant 0 : i32
    %dma_wait3A_7 = arith.constant 0 : i32
    %dma_wait3A_8 = tpu.memref_slice %arg2[%dma_wait3A, %dma_wait3A_7] : memref<100000x128xf32, #tpu.memory_space<hbm>> -> memref<100000x128xf32, #tpu.memory_space<hbm>>
    tpu.wait_indirect_dma semaphore(%arg7 : memref<!tpu.dma_semaphore, #tpu.memory_space<semaphore_mem>>) src(%dma_wait3A_8 : memref<100000x128xf32, #tpu.memory_space<hbm>>) dst(%arg6 : memref<640x128xf32, #tpu.memory_space<vmem>>)
    "tpu.region"() ({
      %run_scoped3A = tpu.sem_alloc : memref<!tpu.dma_semaphore, #tpu.memory_space<semaphore_mem>>
      %dma_start3A_17 = arith.constant 0 : i32
      %dma_start3A_18 = tpu.memref_slice %arg4[%add3A_4, %dma_start3A_17] : memref<40960x128xf32, #tpu.memory_space<hbm>> -> memref<640x128xf32, #tpu.memory_space<hbm>>
      %dma_start3A_19 = arith.constant 0 : i32
      %dma_start3A_20 = tpu.memref_slice %arg4[%add3A_4, %dma_start3A_19] : memref<40960x128xf32, #tpu.memory_space<hbm>> -> memref<640x128xf32, #tpu.memory_space<hbm>>
      tpu.enqueue_dma source(%arg6 : memref<640x128xf32, #tpu.memory_space<vmem>>) target(%dma_start3A_20 : memref<640x128xf32, #tpu.memory_space<hbm>>) target_semaphore(%run_scoped3A : memref<!tpu.dma_semaphore, #tpu.memory_space<semaphore_mem>>)
      %dma_wait3A_21 = arith.constant 0 : i32
      %dma_wait3A_22 = tpu.memref_slice %arg4[%add3A_4, %dma_wait3A_21] : memref<40960x128xf32, #tpu.memory_space<hbm>> -> memref<640x128xf32, #tpu.memory_space<hbm>>
      %dma_wait3A_23 = arith.constant 0 : i32
      %dma_wait3A_24 = tpu.memref_slice %arg4[%add3A_4, %dma_wait3A_23] : memref<40960x128xf32, #tpu.memory_space<hbm>> -> memref<640x128xf32, #tpu.memory_space<hbm>>
      tpu.wait_dma2 semaphore(%run_scoped3A : memref<!tpu.dma_semaphore, #tpu.memory_space<semaphore_mem>>) src(%arg6 : memref<640x128xf32, #tpu.memory_space<vmem>>) dst(%dma_wait3A_24 : memref<640x128xf32, #tpu.memory_space<hbm>>)
      tpu.yield
    }) : () -> ()
    %add3A_9 = arith.constant 640 : i32
    %add3A_10 = arith.addi %mul3A_2, %add3A_9 : i32
    "tpu.region"() ({
      %run_scoped3A = tpu.sem_alloc : memref<!tpu.dma_semaphore, #tpu.memory_space<semaphore_mem>>
      %dma_start3A_17 = tpu.memref_slice %arg3[%add3A_10] : memref<40960xi32, #tpu.memory_space<hbm>> -> memref<640xi32, #tpu.memory_space<hbm>>
      %dma_start3A_18 = tpu.memref_slice %arg3[%add3A_10] : memref<40960xi32, #tpu.memory_space<hbm>> -> memref<640xi32, #tpu.memory_space<hbm>>
      tpu.enqueue_dma source(%dma_start3A_18 : memref<640xi32, #tpu.memory_space<hbm>>) target(%arg5 : memref<640xi32, #tpu.memory_space<vmem>>) target_semaphore(%run_scoped3A : memref<!tpu.dma_semaphore, #tpu.memory_space<semaphore_mem>>)
      %dma_wait3A_19 = tpu.memref_slice %arg3[%add3A_10] : memref<40960xi32, #tpu.memory_space<hbm>> -> memref<640xi32, #tpu.memory_space<hbm>>
      %dma_wait3A_20 = tpu.memref_slice %arg3[%add3A_10] : memref<40960xi32, #tpu.memory_space<hbm>> -> memref<640xi32, #tpu.memory_space<hbm>>
      tpu.wait_dma2 semaphore(%run_scoped3A : memref<!tpu.dma_semaphore, #tpu.memory_space<semaphore_mem>>) src(%dma_wait3A_20 : memref<640xi32, #tpu.memory_space<hbm>>) dst(%arg5 : memref<640xi32, #tpu.memory_space<vmem>>)
      tpu.yield
    }) : () -> ()
    %dma_start3A_11 = arith.constant 0 : i32
    %dma_start3A_12 = arith.constant 0 : i32
    %dma_start3A_13 = tpu.memref_slice %arg2[%dma_start3A_11, %dma_start3A_12] : memref<100000x128xf32, #tpu.memory_space<hbm>> -> memref<100000x128xf32, #tpu.memory_space<hbm>>
    tpu.enqueue_indirect_dma source(%dma_start3A_13 : memref<100000x128xf32, #tpu.memory_space<hbm>>) target(%arg6 : memref<640x128xf32, #tpu.memory_space<vmem>>) offsets(%arg5 : memref<640xi32, #tpu.memory_space<vmem>>) semaphore(%arg7 : memref<!tpu.dma_semaphore, #tpu.memory_space<semaphore_mem>>)
    %dma_wait3A_14 = arith.constant 0 : i32
    %dma_wait3A_15 = arith.constant 0 : i32
    %dma_wait3A_16 = tpu.memref_slice %arg2[%dma_wait3A_14, %dma_wait3A_15] : memref<100000x128xf32, #tpu.memory_space<hbm>> -> memref<100000x128xf32, #tpu.memory_space<hbm>>
    tpu.wait_indirect_dma semaphore(%arg7 : memref<!tpu.dma_semaphore, #tpu.memory_space<semaphore_mem>>) src(%dma_wait3A_16 : memref<100000x128xf32, #tpu.memory_space<hbm>>) dst(%arg6 : memref<640x128xf32, #tpu.memory_space<vmem>>)
    "tpu.region"() ({
      %run_scoped3A = tpu.sem_alloc : memref<!tpu.dma_semaphore, #tpu.memory_space<semaphore_mem>>
      %dma_start3A_17 = arith.constant 0 : i32
      %dma_start3A_18 = tpu.memref_slice %arg4[%add3A_10, %dma_start3A_17] : memref<40960x128xf32, #tpu.memory_space<hbm>> -> memref<640x128xf32, #tpu.memory_space<hbm>>
      %dma_start3A_19 = arith.constant 0 : i32
      %dma_start3A_20 = tpu.memref_slice %arg4[%add3A_10, %dma_start3A_19] : memref<40960x128xf32, #tpu.memory_space<hbm>> -> memref<640x128xf32, #tpu.memory_space<hbm>>
      tpu.enqueue_dma source(%arg6 : memref<640x128xf32, #tpu.memory_space<vmem>>) target(%dma_start3A_20 : memref<640x128xf32, #tpu.memory_space<hbm>>) target_semaphore(%run_scoped3A : memref<!tpu.dma_semaphore, #tpu.memory_space<semaphore_mem>>)
      %dma_wait3A_21 = arith.constant 0 : i32
      %dma_wait3A_22 = tpu.memref_slice %arg4[%add3A_10, %dma_wait3A_21] : memref<40960x128xf32, #tpu.memory_space<hbm>> -> memref<640x128xf32, #tpu.memory_space<hbm>>
      %dma_wait3A_23 = arith.constant 0 : i32
      %dma_wait3A_24 = tpu.memref_slice %arg4[%add3A_10, %dma_wait3A_23] : memref<40960x128xf32, #tpu.memory_space<hbm>> -> memref<640x128xf32, #tpu.memory_space<hbm>>
      tpu.wait_dma2 semaphore(%run_scoped3A : memref<!tpu.dma_semaphore, #tpu.memory_space<semaphore_mem>>) src(%arg6 : memref<640x128xf32, #tpu.memory_space<vmem>>) dst(%dma_wait3A_24 : memref<640x128xf32, #tpu.memory_space<hbm>>)
      tpu.yield
    }) : () -> ()
    return
  }
}

module attributes {stable_mosaic.version = 14 : i64} {
  func.func @body(%arg0: i32, %arg1: i32, %arg2: memref<4096x1280xbf16, #tpu.memory_space<vmem>>, %arg3: memref<1280x128xbf16, #tpu.memory_space<vmem>>, %arg4: memref<1x128xf32, #tpu.memory_space<vmem>>, %arg5: memref<128x2048xbf16, #tpu.memory_space<vmem>>, %arg6: memref<1x2048xf32, #tpu.memory_space<vmem>>, %arg7: memref<4096x128xbf16, #tpu.memory_space<vmem>>, %arg8: memref<4096x1xf32, #tpu.memory_space<vmem>>) attributes {dimension_semantics = [#tpu.dimension_semantics<arbitrary>, #tpu.dimension_semantics<arbitrary>], iteration_bounds = array<i64: 49, 16>, scalar_prefetch = 0 : i64, scratch_operands = 0 : i64, tpu.core_type = #tpu.core_type<tc>, window_params = [{pipeline_mode = #tpu.pipeline_mode<synchronous>, transform_indices = @transform_0, window_bounds = array<i64: 4096, 1280>}, {pipeline_mode = #tpu.pipeline_mode<synchronous>, transform_indices = @transform_1, window_bounds = array<i64: 1280, 128>}, {pipeline_mode = #tpu.pipeline_mode<synchronous>, transform_indices = @transform_2, window_bounds = array<i64: 1, 128>}, {transform_indices = @transform_3, window_bounds = array<i64: 128, 2048>}, {transform_indices = @transform_4, window_bounds = array<i64: 1, 2048>}, {pipeline_mode = #tpu.pipeline_mode<synchronous>, transform_indices = @transform_5, window_bounds = array<i64: 4096, 128>}, {pipeline_mode = #tpu.pipeline_mode<synchronous>, transform_indices = @transform_6, window_bounds = array<i64: 4096, 1>}]} {
    %eq3A = arith.constant 0 : i32
    %eq3A_0 = arith.cmpi eq, %arg0, %eq3A : i32
    %eq3A_1 = arith.constant 0 : i32
    %eq3A_2 = arith.cmpi eq, %arg1, %eq3A_1 : i32
    %and3A = arith.andi %eq3A_0, %eq3A_2 : i1
    %convert_element_type3A = arith.extui %and3A : i1 to i32
    %cond3A = arith.constant 0 : i32
    %cond3A_3 = arith.cmpi ne, %convert_element_type3A, %cond3A : i32
    scf.if %cond3A_3 {
      %get3A_22 = arith.constant 0 : index
      %get3A_23 = arith.constant 0 : index
      %get3A_24 = vector.load %arg2[%get3A_22, %get3A_23] : memref<4096x1280xbf16, #tpu.memory_space<vmem>>, vector<4096x1280xbf16>
      %get3A_25 = arith.constant 0 : index
      %get3A_26 = arith.constant 0 : index
      %get3A_27 = vector.load %arg3[%get3A_25, %get3A_26] : memref<1280x128xbf16, #tpu.memory_space<vmem>>, vector<1280x128xbf16>
      %dot_general3A_28 = arith.constant dense<0.000000e+00> : vector<4096x128xf32>
      %dot_general3A_29 = tpu.matmul %get3A_24, %get3A_27, %dot_general3A_28 {dimension_numbers = #tpu.dot_dimension_numbers<[1], [0], [0], [1], [0, 0, 1, 1], [], []>, transpose_lhs_hint = false} : vector<4096x1280xbf16>, vector<1280x128xbf16>, vector<4096x128xf32> -> vector<4096x128xf32>
      %get3A_30 = arith.constant 0 : index
      %get3A_31 = arith.constant 0 : index
      %get3A_32 = vector.load %arg4[%get3A_30, %get3A_31] : memref<1x128xf32, #tpu.memory_space<vmem>>, vector<1x128xf32>
      %add3A_33 = vector.broadcast %get3A_32 : vector<1x128xf32> to vector<4096x128xf32>
      %add3A_34 = arith.addf %dot_general3A_29, %add3A_33 : vector<4096x128xf32>
      %max3A = arith.constant 0.000000e+00 : f32
      %max3A_35 = vector.broadcast %max3A : f32 to vector<4096x128xf32>
      %max3A_36 = arith.maximumf %add3A_34, %max3A_35 : vector<4096x128xf32>
      %convert_element_type3A_37 = arith.truncf %max3A_36 : vector<4096x128xf32> to vector<4096x128xbf16>
      %swap3A_38 = arith.constant 0 : index
      %swap3A_39 = arith.constant 0 : index
      %swap3A_40 = vector.load %arg7[%swap3A_38, %swap3A_39] : memref<4096x128xbf16, #tpu.memory_space<vmem>>, vector<4096x128xbf16>
      tpu.vector_store %arg7[%swap3A_38, %swap3A_39], %convert_element_type3A_37 {strides = array<i32>} : memref<4096x128xbf16, #tpu.memory_space<vmem>>, vector<4096x128xbf16>,
      %broadcast_in_dim3A_41 = arith.constant 0.000000e+00 : f32
      %broadcast_in_dim3A_42 = vector.broadcast %broadcast_in_dim3A_41 : f32 to vector<4096x1xf32>
      %swap3A_43 = arith.constant 0 : index
      %swap3A_44 = arith.constant 0 : index
      %swap3A_45 = vector.load %arg8[%swap3A_43, %swap3A_44] : memref<4096x1xf32, #tpu.memory_space<vmem>>, vector<4096x1xf32>
      tpu.vector_store %arg8[%swap3A_43, %swap3A_44], %broadcast_in_dim3A_42 {strides = array<i32>} : memref<4096x1xf32, #tpu.memory_space<vmem>>, vector<4096x1xf32>,
    } else {
    }
    %mul3A = arith.constant 256 : i32
    %mul3A_4 = arith.muli %arg1, %mul3A : i32
    %get3A = arith.index_cast %mul3A_4 : i32 to index
    %get3A_5 = arith.constant 0 : index
    %get3A_6 = vector.load %arg7[%get3A, %get3A_5] : memref<4096x128xbf16, #tpu.memory_space<vmem>>, vector<256x128xbf16>
    %get3A_7 = arith.constant 0 : index
    %get3A_8 = arith.constant 0 : index
    %get3A_9 = vector.load %arg5[%get3A_7, %get3A_8] : memref<128x2048xbf16, #tpu.memory_space<vmem>>, vector<128x2048xbf16>
    %dot_general3A = arith.constant dense<0.000000e+00> : vector<256x2048xf32>
    %dot_general3A_10 = tpu.matmul %get3A_6, %get3A_9, %dot_general3A {dimension_numbers = #tpu.dot_dimension_numbers<[1], [0], [0], [1], [0, 0, 1, 1], [], []>, transpose_lhs_hint = false} : vector<256x128xbf16>, vector<128x2048xbf16>, vector<256x2048xf32> -> vector<256x2048xf32>
    %get3A_11 = arith.constant 0 : index
    %get3A_12 = arith.constant 0 : index
    %get3A_13 = vector.load %arg6[%get3A_11, %get3A_12] : memref<1x2048xf32, #tpu.memory_space<vmem>>, vector<1x2048xf32>
    %add3A = vector.broadcast %get3A_13 : vector<1x2048xf32> to vector<256x2048xf32>
    %add3A_14 = arith.addf %dot_general3A_10, %add3A : vector<256x2048xf32>
    %get3A_15 = arith.index_cast %mul3A_4 : i32 to index
    %get3A_16 = arith.constant 0 : index
    %get3A_17 = vector.load %arg8[%get3A_15, %get3A_16] : memref<4096x1xf32, #tpu.memory_space<vmem>>, vector<256x1xf32>
    %exp3A = math.exp %add3A_14 : vector<256x2048xf32>
    %reduce_sum3A = arith.constant dense<0.000000e+00> : vector<256xf32>
    %reduce_sum3A_18 = vector.multi_reduction <add>, %exp3A, %reduce_sum3A [1] : vector<256x2048xf32> to vector<256xf32>
    %broadcast_in_dim3A = vector.shape_cast %reduce_sum3A_18 : vector<256xf32> to vector<256x1xf32>
    %add3A_19 = arith.addf %get3A_17, %broadcast_in_dim3A : vector<256x1xf32>
    %swap3A = arith.index_cast %mul3A_4 : i32 to index
    %swap3A_20 = arith.constant 0 : index
    %swap3A_21 = vector.load %arg8[%swap3A, %swap3A_20] : memref<4096x1xf32, #tpu.memory_space<vmem>>, vector<256x1xf32>
    tpu.vector_store %arg8[%swap3A, %swap3A_20], %add3A_19 {strides = array<i32>} : memref<4096x1xf32, #tpu.memory_space<vmem>>, vector<256x1xf32>,
    return
  }
  func.func @transform_0(%arg0: i32, %arg1: i32) -> (i32, i32) {
    %c0_i32 = arith.constant 0 : i32
    %c0_i32_0 = arith.constant 0 : i32
    %c0_i32_1 = arith.constant 0 : i32
    return %c0_i32, %c0_i32_0 : i32, i32
  }
  func.func @transform_1(%arg0: i32, %arg1: i32) -> (i32, i32) {
    %c0_i32 = arith.constant 0 : i32
    %c0_i32_0 = arith.constant 0 : i32
    %c0_i32_1 = arith.constant 0 : i32
    return %c0_i32, %c0_i32_0 : i32, i32
  }
  func.func @transform_2(%arg0: i32, %arg1: i32) -> (i32, i32) {
    %c0_i32 = arith.constant 0 : i32
    %c0_i32_0 = arith.constant 0 : i32
    %c0_i32_1 = arith.constant 0 : i32
    return %c0_i32, %c0_i32_0 : i32, i32
  }
  func.func @transform_3(%arg0: i32, %arg1: i32) -> (i32, i32) {
    %c0_i32 = arith.constant 0 : i32
    %c0_i32_0 = arith.constant 0 : i32
    return %c0_i32, %arg0 : i32, i32
  }
  func.func @transform_4(%arg0: i32, %arg1: i32) -> (i32, i32) {
    %c0_i32 = arith.constant 0 : i32
    %c0_i32_0 = arith.constant 0 : i32
    return %c0_i32, %arg0 : i32, i32
  }
  func.func @transform_5(%arg0: i32, %arg1: i32) -> (i32, i32) {
    %c0_i32 = arith.constant 0 : i32
    %c0_i32_0 = arith.constant 0 : i32
    %c0_i32_1 = arith.constant 0 : i32
    return %c0_i32, %c0_i32_0 : i32, i32
  }
  func.func @transform_6(%arg0: i32, %arg1: i32) -> (i32, i32) {
    %c0_i32 = arith.constant 0 : i32
    %c0_i32_0 = arith.constant 0 : i32
    %c0_i32_1 = arith.constant 0 : i32
    return %c0_i32, %c0_i32_0 : i32, i32
  }
}

module attributes {stable_mosaic.version = 14 : i64} {
  func.func @body(%arg0: i32, %arg1: i32, %arg2: memref<4096x128xbf16, #tpu.memory_space<vmem>>, %arg3: memref<128x2048xbf16, #tpu.memory_space<vmem>>, %arg4: memref<1x2048xf32, #tpu.memory_space<vmem>>, %arg5: memref<4096x1xf32, #tpu.memory_space<vmem>>, %arg6: memref<4096x100000xf32, #tpu.memory_space<any>>, %arg7: memref<8x256x2048xf32, #tpu.memory_space<vmem>>, %arg8: memref<8x!tpu.dma_semaphore, #tpu.memory_space<semaphore_mem>>) attributes {dimension_semantics = [#tpu.dimension_semantics<arbitrary>, #tpu.dimension_semantics<arbitrary>], iteration_bounds = array<i64: 49, 16>, scalar_prefetch = 0 : i64, scratch_operands = 2 : i64, tpu.core_type = #tpu.core_type<tc>, window_params = [{pipeline_mode = #tpu.pipeline_mode<synchronous>, transform_indices = @transform_0, window_bounds = array<i64: 4096, 128>}, {transform_indices = @transform_1, window_bounds = array<i64: 128, 2048>}, {transform_indices = @transform_2, window_bounds = array<i64: 1, 2048>}, {pipeline_mode = #tpu.pipeline_mode<synchronous>, transform_indices = @transform_3, window_bounds = array<i64: 4096, 1>}, {}]} {
    %mul3A = arith.constant 16 : i32
    %mul3A_0 = arith.muli %arg0, %mul3A : i32
    %add3A = arith.addi %mul3A_0, %arg1 : i32
    %rem3A = arith.constant 8 : i32
    %rem3A_1 = arith.remsi %add3A, %rem3A : i32
    %ge3A = arith.constant 8 : i32
    %ge3A_2 = arith.cmpi sge, %add3A, %ge3A : i32
    %convert_element_type3A = arith.extui %ge3A_2 : i1 to i32
    %cond3A = arith.constant 0 : i32
    %cond3A_3 = arith.cmpi ne, %convert_element_type3A, %cond3A : i32
    scf.if %cond3A_3 {
      %sub3A_39 = arith.constant 8 : i32
      %sub3A_40 = arith.subi %add3A, %sub3A_39 : i32
      %jit3A = arith.constant 16 : i32
      %div3A = arith.divsi %sub3A_40, %jit3A : i32
      %sign3A = arith.constant 0 : i32
      %sign3A_41 = arith.cmpi sgt, %sub3A_40, %sign3A : i32
      %sign3A_42 = arith.extui %sign3A_41 : i1 to i32
      %sign3A_43 = arith.constant 0 : i32
      %sign3A_44 = arith.cmpi slt, %sub3A_40, %sign3A_43 : i32
      %sign3A_45 = arith.extui %sign3A_44 : i1 to i32
      %sign3A_46 = arith.subi %sign3A_42, %sign3A_45 : i32
      %sign3A_47 = arith.constant 0 : i32
      %sign3A_48 = arith.cmpi sgt, %jit3A, %sign3A_47 : i32
      %sign3A_49 = arith.extui %sign3A_48 : i1 to i32
      %sign3A_50 = arith.constant 0 : i32
      %sign3A_51 = arith.cmpi slt, %jit3A, %sign3A_50 : i32
      %sign3A_52 = arith.extui %sign3A_51 : i1 to i32
      %sign3A_53 = arith.subi %sign3A_49, %sign3A_52 : i32
      %ne3A = arith.cmpi ne, %sign3A_46, %sign3A_53 : i32
      %rem3A_54 = arith.remsi %sub3A_40, %jit3A : i32
      %ne3A_55 = arith.constant 0 : i32
      %ne3A_56 = arith.cmpi ne, %rem3A_54, %ne3A_55 : i32
      %and3A = arith.andi %ne3A, %ne3A_56 : i1
      %sub3A_57 = arith.constant 1 : i32
      %sub3A_58 = arith.subi %div3A, %sub3A_57 : i32
      %select_n3A = arith.select %and3A, %sub3A_58, %div3A : i32
      %mul3A_59 = arith.constant 16 : i32
      %mul3A_60 = arith.muli %select_n3A, %mul3A_59 : i32
      %sub3A_61 = arith.subi %sub3A_40, %mul3A_60 : i32
      %mul3A_62 = arith.constant 256 : i32
      %mul3A_63 = arith.muli %sub3A_61, %mul3A_62 : i32
      %mul3A_64 = arith.constant 2048 : i32
      %mul3A_65 = arith.muli %select_n3A, %mul3A_64 : i32
      %min3A_66 = arith.constant 98048 : i32
      %min3A_67 = arith.minsi %mul3A_65, %min3A_66 : i32
      %dma_wait3A = tpu.memref_slice %arg8[%rem3A_1] : memref<8x!tpu.dma_semaphore, #tpu.memory_space<semaphore_mem>> -> memref<1x!tpu.dma_semaphore, #tpu.memory_space<semaphore_mem>>
      %dma_wait3A_68 = tpu.memref_squeeze %dma_wait3A : memref<1x!tpu.dma_semaphore, #tpu.memory_space<semaphore_mem>> -> memref<!tpu.dma_semaphore, #tpu.memory_space<semaphore_mem>>
      %dma_wait3A_69 = tpu.memref_slice %arg6[%mul3A_63, %min3A_67] : memref<4096x100000xf32, #tpu.memory_space<any>> -> memref<256x2048xf32, #tpu.memory_space<any>>
      %dma_wait3A_70 = arith.constant 0 : i32
      %dma_wait3A_71 = arith.constant 0 : i32
      %dma_wait3A_72 = tpu.memref_slice %arg7[%rem3A_1, %dma_wait3A_70, %dma_wait3A_71] : memref<8x256x2048xf32, #tpu.memory_space<vmem>> -> memref<1x256x2048xf32, #tpu.memory_space<vmem>>
      %dma_wait3A_73 = tpu.memref_squeeze %dma_wait3A_72 : memref<1x256x2048xf32, #tpu.memory_space<vmem>> -> memref<256x2048xf32, #tpu.memory_space<vmem>>
      tpu.wait_dma2 semaphore(%dma_wait3A_68 : memref<!tpu.dma_semaphore, #tpu.memory_space<semaphore_mem>>) src(%dma_wait3A_73 : memref<256x2048xf32, #tpu.memory_space<vmem>>) dst(%dma_wait3A_69 : memref<256x2048xf32, #tpu.memory_space<any>>)
    } else {
    }
    %mul3A_4 = arith.constant 256 : i32
    %mul3A_5 = arith.muli %arg1, %mul3A_4 : i32
    %get3A = arith.index_cast %mul3A_5 : i32 to index
    %get3A_6 = arith.constant 0 : index
    %get3A_7 = vector.load %arg2[%get3A, %get3A_6] : memref<4096x128xbf16, #tpu.memory_space<vmem>>, vector<256x128xbf16>
    %get3A_8 = arith.constant 0 : index
    %get3A_9 = arith.constant 0 : index
    %get3A_10 = vector.load %arg3[%get3A_8, %get3A_9] : memref<128x2048xbf16, #tpu.memory_space<vmem>>, vector<128x2048xbf16>
    %dot_general3A = arith.constant dense<0.000000e+00> : vector<256x2048xf32>
    %dot_general3A_11 = tpu.matmul %get3A_7, %get3A_10, %dot_general3A {dimension_numbers = #tpu.dot_dimension_numbers<[1], [0], [0], [1], [0, 0, 1, 1], [], []>, transpose_lhs_hint = false} : vector<256x128xbf16>, vector<128x2048xbf16>, vector<256x2048xf32> -> vector<256x2048xf32>
    %get3A_12 = arith.constant 0 : index
    %get3A_13 = arith.constant 0 : index
    %get3A_14 = vector.load %arg4[%get3A_12, %get3A_13] : memref<1x2048xf32, #tpu.memory_space<vmem>>, vector<1x2048xf32>
    %add3A_15 = vector.broadcast %get3A_14 : vector<1x2048xf32> to vector<256x2048xf32>
    %add3A_16 = arith.addf %dot_general3A_11, %add3A_15 : vector<256x2048xf32>
    %get3A_17 = arith.index_cast %mul3A_5 : i32 to index
    %get3A_18 = arith.constant 0 : index
    %get3A_19 = vector.load %arg5[%get3A_17, %get3A_18] : memref<4096x1xf32, #tpu.memory_space<vmem>>, vector<256x1xf32>
    %log3A = math.log %get3A_19 : vector<256x1xf32>
    %sub3A = vector.broadcast %log3A : vector<256x1xf32> to vector<256x2048xf32>
    %sub3A_20 = arith.subf %add3A_16, %sub3A : vector<256x2048xf32>
    %swap3A = arith.index_cast %rem3A_1 : i32 to index
    %swap3A_21 = arith.constant 0 : index
    %swap3A_22 = arith.constant 0 : index
    %swap3A_23 = vector.load %arg7[%swap3A, %swap3A_21, %swap3A_22] : memref<8x256x2048xf32, #tpu.memory_space<vmem>>, vector<1x256x2048xf32>
    %swap3A_24 = vector.shape_cast %swap3A_23 : vector<1x256x2048xf32> to vector<256x2048xf32>
    %swap3A_25 = vector.shape_cast %sub3A_20 : vector<256x2048xf32> to vector<1x256x2048xf32>
    tpu.vector_store %arg7[%swap3A, %swap3A_21, %swap3A_22], %swap3A_25 {strides = array<i32>} : memref<8x256x2048xf32, #tpu.memory_space<vmem>>, vector<1x256x2048xf32>,
    %mul3A_26 = arith.constant 2048 : i32
    %mul3A_27 = arith.muli %arg0, %mul3A_26 : i32
    %min3A = arith.constant 98048 : i32
    %min3A_28 = arith.minsi %mul3A_27, %min3A : i32
    %dma_start3A = tpu.memref_slice %arg8[%rem3A_1] : memref<8x!tpu.dma_semaphore, #tpu.memory_space<semaphore_mem>> -> memref<1x!tpu.dma_semaphore, #tpu.memory_space<semaphore_mem>>
    %dma_start3A_29 = tpu.memref_squeeze %dma_start3A : memref<1x!tpu.dma_semaphore, #tpu.memory_space<semaphore_mem>> -> memref<!tpu.dma_semaphore, #tpu.memory_space<semaphore_mem>>
    %dma_start3A_30 = tpu.memref_slice %arg6[%mul3A_5, %min3A_28] : memref<4096x100000xf32, #tpu.memory_space<any>> -> memref<256x2048xf32, #tpu.memory_space<any>>
    %dma_start3A_31 = arith.constant 0 : i32
    %dma_start3A_32 = arith.constant 0 : i32
    %dma_start3A_33 = tpu.memref_slice %arg7[%rem3A_1, %dma_start3A_31, %dma_start3A_32] : memref<8x256x2048xf32, #tpu.memory_space<vmem>> -> memref<1x256x2048xf32, #tpu.memory_space<vmem>>
    %dma_start3A_34 = tpu.memref_squeeze %dma_start3A_33 : memref<1x256x2048xf32, #tpu.memory_space<vmem>> -> memref<256x2048xf32, #tpu.memory_space<vmem>>
    tpu.enqueue_dma source(%dma_start3A_34 : memref<256x2048xf32, #tpu.memory_space<vmem>>) target(%dma_start3A_30 : memref<256x2048xf32, #tpu.memory_space<any>>) target_semaphore(%dma_start3A_29 : memref<!tpu.dma_semaphore, #tpu.memory_space<semaphore_mem>>)
    %eq3A = arith.constant 783 : i32
    %eq3A_35 = arith.cmpi eq, %add3A, %eq3A : i32
    %convert_element_type3A_36 = arith.extui %eq3A_35 : i1 to i32
    %cond3A_37 = arith.constant 0 : i32
    %cond3A_38 = arith.cmpi ne, %convert_element_type3A_36, %cond3A_37 : i32
    scf.if %cond3A_38 {
      %mul3A_39 = arith.constant 48 : i32
      %mul3A_40 = arith.constant 2048 : i32
      %mul3A_41 = arith.muli %mul3A_39, %mul3A_40 : i32
      %min3A_42 = arith.constant 98048 : i32
      %min3A_43 = arith.minsi %mul3A_41, %min3A_42 : i32
      %dma_wait3A = arith.constant 0 : i32
      %dma_wait3A_44 = arith.constant 0 : i32
      %dma_wait3A_45 = tpu.memref_slice %arg8[%dma_wait3A_44] : memref<8x!tpu.dma_semaphore, #tpu.memory_space<semaphore_mem>> -> memref<1x!tpu.dma_semaphore, #tpu.memory_space<semaphore_mem>>
      %dma_wait3A_46 = tpu.memref_squeeze %dma_wait3A_45 : memref<1x!tpu.dma_semaphore, #tpu.memory_space<semaphore_mem>> -> memref<!tpu.dma_semaphore, #tpu.memory_space<semaphore_mem>>
      %dma_wait3A_47 = arith.constant 2048 : i32
      %dma_wait3A_48 = tpu.memref_slice %arg6[%dma_wait3A_47, %min3A_43] : memref<4096x100000xf32, #tpu.memory_space<any>> -> memref<256x2048xf32, #tpu.memory_space<any>>
      %dma_wait3A_49 = arith.constant 0 : i32
      %dma_wait3A_50 = arith.constant 0 : i32
      %dma_wait3A_51 = tpu.memref_slice %arg7[%dma_wait3A, %dma_wait3A_49, %dma_wait3A_50] : memref<8x256x2048xf32, #tpu.memory_space<vmem>> -> memref<1x256x2048xf32, #tpu.memory_space<vmem>>
      %dma_wait3A_52 = tpu.memref_squeeze %dma_wait3A_51 : memref<1x256x2048xf32, #tpu.memory_space<vmem>> -> memref<256x2048xf32, #tpu.memory_space<vmem>>
      tpu.wait_dma2 semaphore(%dma_wait3A_46 : memref<!tpu.dma_semaphore, #tpu.memory_space<semaphore_mem>>) src(%dma_wait3A_52 : memref<256x2048xf32, #tpu.memory_space<vmem>>) dst(%dma_wait3A_48 : memref<256x2048xf32, #tpu.memory_space<any>>)
      %mul3A_53 = arith.constant 48 : i32
      %mul3A_54 = arith.constant 2048 : i32
      %mul3A_55 = arith.muli %mul3A_53, %mul3A_54 : i32
      %min3A_56 = arith.constant 98048 : i32
      %min3A_57 = arith.minsi %mul3A_55, %min3A_56 : i32
      %dma_wait3A_58 = arith.constant 1 : i32
      %dma_wait3A_59 = arith.constant 1 : i32
      %dma_wait3A_60 = tpu.memref_slice %arg8[%dma_wait3A_59] : memref<8x!tpu.dma_semaphore, #tpu.memory_space<semaphore_mem>> -> memref<1x!tpu.dma_semaphore, #tpu.memory_space<semaphore_mem>>
      %dma_wait3A_61 = tpu.memref_squeeze %dma_wait3A_60 : memref<1x!tpu.dma_semaphore, #tpu.memory_space<semaphore_mem>> -> memref<!tpu.dma_semaphore, #tpu.memory_space<semaphore_mem>>
      %dma_wait3A_62 = arith.constant 2304 : i32
      %dma_wait3A_63 = tpu.memref_slice %arg6[%dma_wait3A_62, %min3A_57] : memref<4096x100000xf32, #tpu.memory_space<any>> -> memref<256x2048xf32, #tpu.memory_space<any>>
      %dma_wait3A_64 = arith.constant 0 : i32
      %dma_wait3A_65 = arith.constant 0 : i32
      %dma_wait3A_66 = tpu.memref_slice %arg7[%dma_wait3A_58, %dma_wait3A_64, %dma_wait3A_65] : memref<8x256x2048xf32, #tpu.memory_space<vmem>> -> memref<1x256x2048xf32, #tpu.memory_space<vmem>>
      %dma_wait3A_67 = tpu.memref_squeeze %dma_wait3A_66 : memref<1x256x2048xf32, #tpu.memory_space<vmem>> -> memref<256x2048xf32, #tpu.memory_space<vmem>>
      tpu.wait_dma2 semaphore(%dma_wait3A_61 : memref<!tpu.dma_semaphore, #tpu.memory_space<semaphore_mem>>) src(%dma_wait3A_67 : memref<256x2048xf32, #tpu.memory_space<vmem>>) dst(%dma_wait3A_63 : memref<256x2048xf32, #tpu.memory_space<any>>)
      %mul3A_68 = arith.constant 48 : i32
      %mul3A_69 = arith.constant 2048 : i32
      %mul3A_70 = arith.muli %mul3A_68, %mul3A_69 : i32
      %min3A_71 = arith.constant 98048 : i32
      %min3A_72 = arith.minsi %mul3A_70, %min3A_71 : i32
      %dma_wait3A_73 = arith.constant 2 : i32
      %dma_wait3A_74 = arith.constant 2 : i32
      %dma_wait3A_75 = tpu.memref_slice %arg8[%dma_wait3A_74] : memref<8x!tpu.dma_semaphore, #tpu.memory_space<semaphore_mem>> -> memref<1x!tpu.dma_semaphore, #tpu.memory_space<semaphore_mem>>
      %dma_wait3A_76 = tpu.memref_squeeze %dma_wait3A_75 : memref<1x!tpu.dma_semaphore, #tpu.memory_space<semaphore_mem>> -> memref<!tpu.dma_semaphore, #tpu.memory_space<semaphore_mem>>
      %dma_wait3A_77 = arith.constant 2560 : i32
      %dma_wait3A_78 = tpu.memref_slice %arg6[%dma_wait3A_77, %min3A_72] : memref<4096x100000xf32, #tpu.memory_space<any>> -> memref<256x2048xf32, #tpu.memory_space<any>>
      %dma_wait3A_79 = arith.constant 0 : i32
      %dma_wait3A_80 = arith.constant 0 : i32
      %dma_wait3A_81 = tpu.memref_slice %arg7[%dma_wait3A_73, %dma_wait3A_79, %dma_wait3A_80] : memref<8x256x2048xf32, #tpu.memory_space<vmem>> -> memref<1x256x2048xf32, #tpu.memory_space<vmem>>
      %dma_wait3A_82 = tpu.memref_squeeze %dma_wait3A_81 : memref<1x256x2048xf32, #tpu.memory_space<vmem>> -> memref<256x2048xf32, #tpu.memory_space<vmem>>
      tpu.wait_dma2 semaphore(%dma_wait3A_76 : memref<!tpu.dma_semaphore, #tpu.memory_space<semaphore_mem>>) src(%dma_wait3A_82 : memref<256x2048xf32, #tpu.memory_space<vmem>>) dst(%dma_wait3A_78 : memref<256x2048xf32, #tpu.memory_space<any>>)
      %mul3A_83 = arith.constant 48 : i32
      %mul3A_84 = arith.constant 2048 : i32
      %mul3A_85 = arith.muli %mul3A_83, %mul3A_84 : i32
      %min3A_86 = arith.constant 98048 : i32
      %min3A_87 = arith.minsi %mul3A_85, %min3A_86 : i32
      %dma_wait3A_88 = arith.constant 3 : i32
      %dma_wait3A_89 = arith.constant 3 : i32
      %dma_wait3A_90 = tpu.memref_slice %arg8[%dma_wait3A_89] : memref<8x!tpu.dma_semaphore, #tpu.memory_space<semaphore_mem>> -> memref<1x!tpu.dma_semaphore, #tpu.memory_space<semaphore_mem>>
      %dma_wait3A_91 = tpu.memref_squeeze %dma_wait3A_90 : memref<1x!tpu.dma_semaphore, #tpu.memory_space<semaphore_mem>> -> memref<!tpu.dma_semaphore, #tpu.memory_space<semaphore_mem>>
      %dma_wait3A_92 = arith.constant 2816 : i32
      %dma_wait3A_93 = tpu.memref_slice %arg6[%dma_wait3A_92, %min3A_87] : memref<4096x100000xf32, #tpu.memory_space<any>> -> memref<256x2048xf32, #tpu.memory_space<any>>
      %dma_wait3A_94 = arith.constant 0 : i32
      %dma_wait3A_95 = arith.constant 0 : i32
      %dma_wait3A_96 = tpu.memref_slice %arg7[%dma_wait3A_88, %dma_wait3A_94, %dma_wait3A_95] : memref<8x256x2048xf32, #tpu.memory_space<vmem>> -> memref<1x256x2048xf32, #tpu.memory_space<vmem>>
      %dma_wait3A_97 = tpu.memref_squeeze %dma_wait3A_96 : memref<1x256x2048xf32, #tpu.memory_space<vmem>> -> memref<256x2048xf32, #tpu.memory_space<vmem>>
      tpu.wait_dma2 semaphore(%dma_wait3A_91 : memref<!tpu.dma_semaphore, #tpu.memory_space<semaphore_mem>>) src(%dma_wait3A_97 : memref<256x2048xf32, #tpu.memory_space<vmem>>) dst(%dma_wait3A_93 : memref<256x2048xf32, #tpu.memory_space<any>>)
      %mul3A_98 = arith.constant 48 : i32
      %mul3A_99 = arith.constant 2048 : i32
      %mul3A_100 = arith.muli %mul3A_98, %mul3A_99 : i32
      %min3A_101 = arith.constant 98048 : i32
      %min3A_102 = arith.minsi %mul3A_100, %min3A_101 : i32
      %dma_wait3A_103 = arith.constant 4 : i32
      %dma_wait3A_104 = arith.constant 4 : i32
      %dma_wait3A_105 = tpu.memref_slice %arg8[%dma_wait3A_104] : memref<8x!tpu.dma_semaphore, #tpu.memory_space<semaphore_mem>> -> memref<1x!tpu.dma_semaphore, #tpu.memory_space<semaphore_mem>>
      %dma_wait3A_106 = tpu.memref_squeeze %dma_wait3A_105 : memref<1x!tpu.dma_semaphore, #tpu.memory_space<semaphore_mem>> -> memref<!tpu.dma_semaphore, #tpu.memory_space<semaphore_mem>>
      %dma_wait3A_107 = arith.constant 3072 : i32
      %dma_wait3A_108 = tpu.memref_slice %arg6[%dma_wait3A_107, %min3A_102] : memref<4096x100000xf32, #tpu.memory_space<any>> -> memref<256x2048xf32, #tpu.memory_space<any>>
      %dma_wait3A_109 = arith.constant 0 : i32
      %dma_wait3A_110 = arith.constant 0 : i32
      %dma_wait3A_111 = tpu.memref_slice %arg7[%dma_wait3A_103, %dma_wait3A_109, %dma_wait3A_110] : memref<8x256x2048xf32, #tpu.memory_space<vmem>> -> memref<1x256x2048xf32, #tpu.memory_space<vmem>>
      %dma_wait3A_112 = tpu.memref_squeeze %dma_wait3A_111 : memref<1x256x2048xf32, #tpu.memory_space<vmem>> -> memref<256x2048xf32, #tpu.memory_space<vmem>>
      tpu.wait_dma2 semaphore(%dma_wait3A_106 : memref<!tpu.dma_semaphore, #tpu.memory_space<semaphore_mem>>) src(%dma_wait3A_112 : memref<256x2048xf32, #tpu.memory_space<vmem>>) dst(%dma_wait3A_108 : memref<256x2048xf32, #tpu.memory_space<any>>)
      %mul3A_113 = arith.constant 48 : i32
      %mul3A_114 = arith.constant 2048 : i32
      %mul3A_115 = arith.muli %mul3A_113, %mul3A_114 : i32
      %min3A_116 = arith.constant 98048 : i32
      %min3A_117 = arith.minsi %mul3A_115, %min3A_116 : i32
      %dma_wait3A_118 = arith.constant 5 : i32
      %dma_wait3A_119 = arith.constant 5 : i32
      %dma_wait3A_120 = tpu.memref_slice %arg8[%dma_wait3A_119] : memref<8x!tpu.dma_semaphore, #tpu.memory_space<semaphore_mem>> -> memref<1x!tpu.dma_semaphore, #tpu.memory_space<semaphore_mem>>
      %dma_wait3A_121 = tpu.memref_squeeze %dma_wait3A_120 : memref<1x!tpu.dma_semaphore, #tpu.memory_space<semaphore_mem>> -> memref<!tpu.dma_semaphore, #tpu.memory_space<semaphore_mem>>
      %dma_wait3A_122 = arith.constant 3328 : i32
      %dma_wait3A_123 = tpu.memref_slice %arg6[%dma_wait3A_122, %min3A_117] : memref<4096x100000xf32, #tpu.memory_space<any>> -> memref<256x2048xf32, #tpu.memory_space<any>>
      %dma_wait3A_124 = arith.constant 0 : i32
      %dma_wait3A_125 = arith.constant 0 : i32
      %dma_wait3A_126 = tpu.memref_slice %arg7[%dma_wait3A_118, %dma_wait3A_124, %dma_wait3A_125] : memref<8x256x2048xf32, #tpu.memory_space<vmem>> -> memref<1x256x2048xf32, #tpu.memory_space<vmem>>
      %dma_wait3A_127 = tpu.memref_squeeze %dma_wait3A_126 : memref<1x256x2048xf32, #tpu.memory_space<vmem>> -> memref<256x2048xf32, #tpu.memory_space<vmem>>
      tpu.wait_dma2 semaphore(%dma_wait3A_121 : memref<!tpu.dma_semaphore, #tpu.memory_space<semaphore_mem>>) src(%dma_wait3A_127 : memref<256x2048xf32, #tpu.memory_space<vmem>>) dst(%dma_wait3A_123 : memref<256x2048xf32, #tpu.memory_space<any>>)
      %mul3A_128 = arith.constant 48 : i32
      %mul3A_129 = arith.constant 2048 : i32
      %mul3A_130 = arith.muli %mul3A_128, %mul3A_129 : i32
      %min3A_131 = arith.constant 98048 : i32
      %min3A_132 = arith.minsi %mul3A_130, %min3A_131 : i32
      %dma_wait3A_133 = arith.constant 6 : i32
      %dma_wait3A_134 = arith.constant 6 : i32
      %dma_wait3A_135 = tpu.memref_slice %arg8[%dma_wait3A_134] : memref<8x!tpu.dma_semaphore, #tpu.memory_space<semaphore_mem>> -> memref<1x!tpu.dma_semaphore, #tpu.memory_space<semaphore_mem>>
      %dma_wait3A_136 = tpu.memref_squeeze %dma_wait3A_135 : memref<1x!tpu.dma_semaphore, #tpu.memory_space<semaphore_mem>> -> memref<!tpu.dma_semaphore, #tpu.memory_space<semaphore_mem>>
      %dma_wait3A_137 = arith.constant 3584 : i32
      %dma_wait3A_138 = tpu.memref_slice %arg6[%dma_wait3A_137, %min3A_132] : memref<4096x100000xf32, #tpu.memory_space<any>> -> memref<256x2048xf32, #tpu.memory_space<any>>
      %dma_wait3A_139 = arith.constant 0 : i32
      %dma_wait3A_140 = arith.constant 0 : i32
      %dma_wait3A_141 = tpu.memref_slice %arg7[%dma_wait3A_133, %dma_wait3A_139, %dma_wait3A_140] : memref<8x256x2048xf32, #tpu.memory_space<vmem>> -> memref<1x256x2048xf32, #tpu.memory_space<vmem>>
      %dma_wait3A_142 = tpu.memref_squeeze %dma_wait3A_141 : memref<1x256x2048xf32, #tpu.memory_space<vmem>> -> memref<256x2048xf32, #tpu.memory_space<vmem>>
      tpu.wait_dma2 semaphore(%dma_wait3A_136 : memref<!tpu.dma_semaphore, #tpu.memory_space<semaphore_mem>>) src(%dma_wait3A_142 : memref<256x2048xf32, #tpu.memory_space<vmem>>) dst(%dma_wait3A_138 : memref<256x2048xf32, #tpu.memory_space<any>>)
      %mul3A_143 = arith.constant 48 : i32
      %mul3A_144 = arith.constant 2048 : i32
      %mul3A_145 = arith.muli %mul3A_143, %mul3A_144 : i32
      %min3A_146 = arith.constant 98048 : i32
      %min3A_147 = arith.minsi %mul3A_145, %min3A_146 : i32
      %dma_wait3A_148 = arith.constant 7 : i32
      %dma_wait3A_149 = arith.constant 7 : i32
      %dma_wait3A_150 = tpu.memref_slice %arg8[%dma_wait3A_149] : memref<8x!tpu.dma_semaphore, #tpu.memory_space<semaphore_mem>> -> memref<1x!tpu.dma_semaphore, #tpu.memory_space<semaphore_mem>>
      %dma_wait3A_151 = tpu.memref_squeeze %dma_wait3A_150 : memref<1x!tpu.dma_semaphore, #tpu.memory_space<semaphore_mem>> -> memref<!tpu.dma_semaphore, #tpu.memory_space<semaphore_mem>>
      %dma_wait3A_152 = arith.constant 3840 : i32
      %dma_wait3A_153 = tpu.memref_slice %arg6[%dma_wait3A_152, %min3A_147] : memref<4096x100000xf32, #tpu.memory_space<any>> -> memref<256x2048xf32, #tpu.memory_space<any>>
      %dma_wait3A_154 = arith.constant 0 : i32
      %dma_wait3A_155 = arith.constant 0 : i32
      %dma_wait3A_156 = tpu.memref_slice %arg7[%dma_wait3A_148, %dma_wait3A_154, %dma_wait3A_155] : memref<8x256x2048xf32, #tpu.memory_space<vmem>> -> memref<1x256x2048xf32, #tpu.memory_space<vmem>>
      %dma_wait3A_157 = tpu.memref_squeeze %dma_wait3A_156 : memref<1x256x2048xf32, #tpu.memory_space<vmem>> -> memref<256x2048xf32, #tpu.memory_space<vmem>>
      tpu.wait_dma2 semaphore(%dma_wait3A_151 : memref<!tpu.dma_semaphore, #tpu.memory_space<semaphore_mem>>) src(%dma_wait3A_157 : memref<256x2048xf32, #tpu.memory_space<vmem>>) dst(%dma_wait3A_153 : memref<256x2048xf32, #tpu.memory_space<any>>)
    } else {
    }
    return
  }
  func.func @transform_0(%arg0: i32, %arg1: i32) -> (i32, i32) {
    %c0_i32 = arith.constant 0 : i32
    %c0_i32_0 = arith.constant 0 : i32
    %c0_i32_1 = arith.constant 0 : i32
    return %c0_i32, %c0_i32_0 : i32, i32
  }
  func.func @transform_1(%arg0: i32, %arg1: i32) -> (i32, i32) {
    %c0_i32 = arith.constant 0 : i32
    %c0_i32_0 = arith.constant 0 : i32
    return %c0_i32, %arg0 : i32, i32
  }
  func.func @transform_2(%arg0: i32, %arg1: i32) -> (i32, i32) {
    %c0_i32 = arith.constant 0 : i32
    %c0_i32_0 = arith.constant 0 : i32
    return %c0_i32, %arg0 : i32, i32
  }
  func.func @transform_3(%arg0: i32, %arg1: i32) -> (i32, i32) {
    %c0_i32 = arith.constant 0 : i32
    %c0_i32_0 = arith.constant 0 : i32
    %c0_i32_1 = arith.constant 0 : i32
    return %c0_i32, %c0_i32_0 : i32, i32
  }
}

</mosaic_0001>

<sc_bundles>
// kernel: kernel.5.cloned.1.call-start
scs
__scs_entry_jumppad:
0x0: {  	(pc) =	sbr.rel $0x88, $3  }
0x1: {  	(tag) =	ssettag $0x0;
	lr =	simm.s32 $0x1  }
0x2: {  	[smem:$0x3F9B] =	sst lr;
	_ =	strace $0xD0000000  }
0x3: {  	_ = 	snop  }
0x4: {  	_ = 	snop  }
0x5: {  	_ = 	snop  }
0x6: {  	_ = 	snop  }
0x7: {  	_ = 	snop  }
__scs_overlays_trampoline_lowered:
0x8: {  	[smem:$0x3FAA] =	sst s0  }
0x9: {  	[smem:$0x3FAB] =	sst s1  }
0xa: {  	[smem:$0x3FAC] =	sst s2  }
0xb: {  	[smem:$0x3FAD] =	sst s3  }
0xc: {  	[smem:$0x3FAE] =	sst s4  }
0xd: {  	[smem:$0x3FAF] =	sst s5  }
0xe: {  	[smem:$0x3FB0] =	sst s6  }
0xf: {  	[smem:$0x3FB1] =	sst s7  }
0x10: {  	[smem:$0x3FB2] =	sst s8  }
0x11: {  	[smem:$0x3FB3] =	sst s9;
	s0 =	simm.s32 @!p0 $0x0  }
0x12: {  	s1 =	sld [smem:$0x3F99];
	s0 =	simm.s32 @p0 $0x1  }
0x13: {  	[smem:$0x3FB4] =	sst s0;
	s0 =	simm.s32 @!p1 $0x0  }
0x14: {  	s2 =	sld [smem:$0x3F98];
	s0 =	simm.s32 @p1 $0x1  }
0x15: {  	[smem:$0x3FB5] =	sst s0;
	s0 =	simm.s32 @!p2 $0x0  }
0x16: {  	s3 =	sld [smem:$0x3FDB];
	s0 =	simm.s32 @p2 $0x1  }
0x17: {  	s4 =	simm.s32 $0x1BF5;
	[smem:$0x3FB7] =	sst s0  }
0x18: {  	s0 =	sld [smem:$0x3F9A];
	_ =	swait.ge [sflag:s4], $0x0  }
0x19: {  	s7 =	sld [smem:$0x3F9B]  }
0x1a: {  	s8 =	sadd.s32 $0xFFFFE003, lr  }
0x1b: {  	s9 =	sadd.s32 $0xFFFFFEF7, lr;
	s5 =	simm.s32 $0xFFFFFFFF;
	p2 =	slt.u32 s8, $0xFFFFF086  }
0x1c: {  	p1 =	slt.u32 s9, $0xF7A;
	s5 =	simm.s32 @!p2 $0x0  }
0x1d: {  	s5 =	simm.s32 @p1 $0x1;
	p0 =	seq.s32 s7, s2  }
0x1e: {  	s7 =	smul.u32 @!p0 $0xF7A, s2;
	p2 =	seq.s32 @!p0 s5, $0x0  }
0x1f: {  	s9 =	smul.u32 $0xF7A, s1;
	s8 =	simm.s32 @!p0 $0x1BF5;
	p2 =	por !p2, p0  }
0x20: {  	[sflag:s8] =	ssyncset.s32 @!p0 $0xFFFFF086;
	s6 =	sadd.s32 @!p0 s3, s7;
	s7 =	simm.s32 @!p0 $0x108  }
0x21: {  	s3 =	sadd.s32 s3, s9;
	s6 =	sadd.s32 @!p0 $0x88, s6;
	s7 =	simm.s32 @p2 $0x1082  }
0x22: {  	[simem:s7], [sflag:s8] =	dma.local @!p0 [hbm:s6], $0xF7A  }
0x23: {  	s9 =	sor.u32 $0xD0000000, s2;
	s6 =	simm.s32 $0x108;
	_ =	swait.ge @!p0 [sflag:s8], $0x0  }
0x24: {  	s3 =	sadd.s32 $0x88, s3;
	s6 =	simm.s32 @!p1 $0x1082;
	[sflag:s4] =	ssyncset.s32 $0xFFFFF086  }
0x25: {  	[simem:s6], [sflag:s4] =	dma.local [hbm:s3], $0xF7A  }
0x26: {  	[smem:$0x3F9B] =	sst s1;
	(tag) =	ssettag s2;
	_ =	strace s9  }
0x27: {  	s1 =	sld [smem:$0x3FAB]  }
0x28: {  	s2 =	sld [smem:$0x3FAC]  }
0x29: {  	s4 =	sld [smem:$0x3FAE]  }
0x2a: {  	p0 =	seq.s32 s5, $0x0;
	s5 =	sld [smem:$0x3FAF]  }
0x2b: {  	s6 =	sld [smem:$0x3FB0]  }
0x2c: {  	s7 =	sld [smem:$0x3FB1]  }
0x2d: {  	s3 =	simm.s32 $0x108;
	s8 =	sld [smem:$0x3FB2]  }
0x2e: {  	s3 =	simm.s32 @!p0 $0x1082;
	s9 =	sld [smem:$0x3FB3]  }
0x2f: {  	lr =	sadd.s32 s0, s3;
	s0 =	sld [smem:$0x3FAA]  }
0x30: {  	s3 =	sld [smem:$0x3FAD]  }
0x31: {  	[smem:$0x3FB6] =	sst s10  }
0x32: {  	s10 =	sld [smem:$0x3FB4];
	_ =	sdelay $0x3  }
0x33: {  	p0 =	seq.s32 s10, $0x1;
	s10 =	sld [smem:$0x3FB6];
	_ =	sdelay $0x3  }
0x34: {  	[smem:$0x3FB6] =	sst s10  }
0x35: {  	s10 =	sld [smem:$0x3FB5];
	_ =	sdelay $0x3  }
0x36: {  	p1 =	seq.s32 s10, $0x1;
	s10 =	sld [smem:$0x3FB6];
	_ =	sdelay $0x3  }
0x37: {  	[smem:$0x3FB6] =	sst s10  }
0x38: {  	s10 =	sld [smem:$0x3FB7]  }
0x39: {  	_ = 	snop;
	(pc) =	sbr.ind lr, $3  }
0x3a: {  	_ = 	snop  }
0x3b: {  	_ = 	snop  }
0x3c: {  	p2 =	seq.s32 s10, $0x1;
	s10 =	sld [smem:$0x3FB6]  }
0x3d: {  	_ =	shalt  }
0x3e: {  	_ =	shalt  }
0x3f: {  	_ =	shalt  }
0x40: {  	_ =	shalt  }
0x41: {  	_ =	shalt  }
0x42: {  	_ =	shalt  }
0x43: {  	_ =	shalt  }
0x44: {  	_ =	shalt  }
0x45: {  	_ =	shalt  }
0x46: {  	_ =	shalt  }
0x47: {  	_ =	shalt  }
0x48: {  	_ =	shalt  }
0x49: {  	_ =	shalt  }
0x4a: {  	_ =	shalt  }
0x4b: {  	_ =	shalt  }
0x4c: {  	_ =	shalt  }
0x4d: {  	_ =	shalt  }
0x4e: {  	_ =	shalt  }
0x4f: {  	_ =	shalt  }
0x50: {  	_ =	shalt  }
0x51: {  	_ =	shalt  }
0x52: {  	_ =	shalt  }
0x53: {  	_ =	shalt  }
0x54: {  	_ =	shalt  }
0x55: {  	_ =	shalt  }
0x56: {  	_ =	shalt  }
0x57: {  	_ =	shalt  }
0x58: {  	_ =	shalt  }
0x59: {  	_ =	shalt  }
0x5a: {  	_ =	shalt  }
0x5b: {  	_ =	shalt  }
0x5c: {  	_ =	shalt  }
0x5d: {  	_ =	shalt  }
0x5e: {  	_ =	shalt  }
0x5f: {  	_ =	shalt  }
0x60: {  	_ =	shalt  }
0x61: {  	_ =	shalt  }
0x62: {  	_ =	shalt  }
0x63: {  	_ =	shalt  }
0x64: {  	_ =	shalt  }
0x65: {  	_ =	shalt  }
0x66: {  	_ =	shalt  }
0x67: {  	_ =	shalt  }
0x68: {  	_ =	shalt  }
0x69: {  	_ =	shalt  }
0x6a: {  	_ =	shalt  }
0x6b: {  	_ =	shalt  }
0x6c: {  	_ =	shalt  }
0x6d: {  	_ =	shalt  }
0x6e: {  	_ =	shalt  }
0x6f: {  	_ =	shalt  }
0x70: {  	_ =	shalt  }
0x71: {  	_ =	shalt  }
0x72: {  	_ =	shalt  }
0x73: {  	_ =	shalt  }
0x74: {  	_ =	shalt  }
0x75: {  	_ =	shalt  }
0x76: {  	_ =	shalt  }
0x77: {  	_ =	shalt  }
0x78: {  	_ =	shalt  }
0x79: {  	_ =	shalt  }
0x7a: {  	_ =	shalt  }
0x7b: {  	_ =	shalt  }
0x7c: {  	_ =	shalt  }
0x7d: {  	_ =	shalt  }
0x7e: {  	_ =	shalt  }
0x7f: {  	_ =	shalt  }
0x80: {  	_ =	shalt  }
0x81: {  	_ =	shalt  }
0x82: {  	_ =	shalt  }
0x83: {  	_ =	shalt  }
0x84: {  	_ =	shalt  }
0x85: {  	_ =	shalt  }
0x86: {  	_ =	shalt  }
0x87: {  	_ =	shalt  }
.Lfunc_end0:
.L_simem_size_0:
called_computation_lowered:
.L_overlay_start_0:
0x88: {  	s2 =	sld [smem:$0x3FD9]  }
0x89: {  	s3 =	sld [smem:$0x3FFE];
	_ =	sdelay $0x1  }
0x8a: {  	s1 =	srdreg.scid  }
0x8b: {  	s0 =	sand.u32 $0x1, s1  }
0x8c: {  	s16 =	sshll.u32 s0, $0xA;
	s2 =	sadd.s32 s3, s2  }
0x8d: {  	s2 =	sadd.s32 s2, s16  }
0x8e: {  	[smem:$0x3FC2] =	sst s2  }
0x8f: {  	_ = 	snop  }
0x90: {  	(tm) =	ssettm $0x1  }
0x91: {  	s17 =	sld [smem:$0x3FFB];
	_ =	sdelay $0x3  }
0x92: {  	_ =	strace s17  }
0x93: {  	s2 =	sld [smem:$0x3FFC];
	_ =	sdelay $0x3  }
0x94: {  	_ =	strace s2  }
0x95: {  	s2 =	sld [smem:$0x3FFD];
	_ =	sdelay $0x3  }
0x96: {  	_ =	strace s2  }
0x97: {  	_ =	strace $0x8FFFFFFF  }
0x98: {  	s18 =	sld [smem:$0x3FDB];
	_ =	sdelay $0x1  }
0x99: {  	s19 =	simm.s32 $_scs_section_size  }
0x9a: {  	s4 =	simm.s32 $_size__tile_overlayer_lowered;
	s5 =	simm.s32 $_tile_overlayer_lowered  }
0x9b: {  	s22 =	simm.s32 $0x1BFF;
	s21 =	sshll.u32 s5, $0x1;
	s2 =	sadd.s32 s19, s18  }
0x9c: {  	s6 =	simm.s32 $0x0;
	s20 =	sshll.u32 s4, $0x1;
	s4 =	sadd.s32 s21, s2  }
0x9d: {  	[timem:s6], [sflag:s22] =	dma.local [hbm:s4], s20  }
0x9e: {  	_ =	swait.ge [sflag:s22], s20  }
0x9f: {  	s3 =	ssub.s32 $0x0, s20;
	[sflag:s22] =	ssyncset.done $0x0  }
0xa0: {  	[sflag:s22] =	ssyncadd.s32 s3;
	_ =	sdelay $0x1  }
0xa1: {  	s23 =	simm.s32 $0x1B8B  }
0xa2: {  	_ =	swait.ge [sflag:s23], $0x1  }
0xa3: {  	[sflag:s23] =	ssyncset.done $0x0  }
0xa4: {  	s25 =	simm.s32 $0x1B8E;
	s24 =	sld [smem:$0x3FFE];
	[sflag:s23] =	ssyncadd.s32 $0xFFFFFFFF  }
0xa5: {  	s26 =	simm.s32 $execute0_lowered;
	[smem:$0x3FD2] =	sst s25  }
0xa6: {  	s4 =	sshll.u32 s26, $0x1;
	_ =	strace $0x80000046;
	[dreg:$0x1] =	wrdreg $0xFFFFFFFF  }
0xa7: {  	s28 =	simm.s32 $_size_execute0_lowered;
	s2 =	sadd.s32 s2, s4;
	[dreg:$0x0] =	wrdreg $0x0  }
0xa8: {  	s4 =	sshll.u32 s28, $0x1;
	[dreg:$0x2] =	wrdreg s2  }
0xa9: {  	[dreg:$0x3] =	wrdreg s4  }
0xaa: {  	[dreg:$0x4] =	wrdreg $0xC0  }
0xab: {  	_ =	task [dreg:s6], $0x5FFFF  }
0xac: {  	[dreg:$0x1] =	wrdreg $0xFFFFFFFF  }
0xad: {  	[dreg:$0x0] =	wrdreg $0x60  }
0xae: {  	[dreg:$0x2] =	wrdreg s24  }
0xaf: {  	[dreg:$0x3] =	wrdreg $0x9  }
0xb0: {  	_ =	task.clear_ibuf [dreg:s6], $0x4FFFF;
	_ =	strace $0x90000046  }
0xb1: {  	s29 =	simm.s32 $0x9;
	_ =	strace $0x80000048  }
0xb2: {  	_ =	swait.ge [sflag:s29], $0x1  }
0xb3: {  	[sflag:s29] =	ssyncadd.s32 $0xFFFFFFFF  }
0xb4: {  	_ =	strace $0x90000048  }
0xb5: {  	_ =	sfence  }
0xb6: {  	s30 =	sld [smem:$0x0];
	_ =	sdelay $0x2  }
0xb7: {  	s31 =	sshll.u32 s1, $0xD;
	s1 =	sshrl.u32 s1, $0x2  }
0xb8: {  	s3 =	sand.u32 $0x4000, s31;
	s1 =	sadd.s32 s1, s30  }
0xb9: {  	s0 =	sor.u32 s3, s0;
	s1 =	sshll.u32 s1, $0x11  }
0xba: {  	s0 =	sor.u32 s1, s0  }
0xbb: {  	s0 =	sadd.s32 $0x8F2B, s0  }
0xbc: {  	[sflag:s0] =	ssyncadd.remote.s32 $0x1  }
0xbd: {  	_ =	sfence.sel $0xFFFF  }
0xbe: {  	[dreg:$0x0] =	wrdreg $0xFFFFFFFF;
	(pc) =	sbr.abs _section_cstart, $3  }
0xbf: {  	[dreg:$0x1] =	wrdreg $0xFFFFFFFF  }
0xc0: {  	_ =	task.clear_ibuf [dreg:s6], $0x2FFFF;
	_ =	strace $0x9FFFFFFF  }
0xc1: {  	(tm) =	ssettm $0x7FFFFFFF  }
tec
execute0_lowered:
.L_overlay_start_1:
0x0: {  	(tag) =	ssettag $0x1  }
0x1: {  	s1 =	srdreg.scid;
	s0 =	stileid.u32  }
0x2: {  	s10 =	sand.u32 $0x1, s1;
	s26 =	sshll.u32 s0, $0x1  }
0x3: {  	s8 =	sor.u32 s10, s26  }
0x4: {  	s9 =	rddreg [dreg:$0x0];
	s11 =	smul.u32 $0x500, s8  }
0x5: {  	s2 =	simm.s32 $0x0;
	s1 =	rddreg [dreg:$0x1]  }
0x6: {  	[smem:$0x7FF] =	sst s2;
	s12 =	sadd.s32 $0x1000, s9;
	s3 =	sshrl.u32 s11, $0x3  }
0x7: {  	_ =	strace $0x80000047;
	s4 =	sadd.s32 s12, s3;
	s3 =	simm.s32 $0x2  }
0x8: {  	[tilespmem:s2], [sflag:$0x2] =	stream.linear.gather [hbm4b:s4+s2], $0x280, $0x38;
	[tilespmem:$0x14280] =	vst v63  }
0x9: {  	_ =	swait.ge [sflag:s3], $0x280  }
0xa: {  	s6 =	simm.s32 $0x280;
	[sflag:s3] =	ssyncset.done $0x0  }
0xb: {  	s7 =	simm.s32 $0x1;
	s5 =	sadd.s32 $0x2400, s9;
	[sflag:s3] =	ssyncadd.s32 $0xFFFFFD80  }
0xc: {  	[tilespmem:s6], [sflag:$0x1] =	stream.indirect.gather [hbm4b:s5+s6], $0x80, s2, s6, $0xb8;
	[tilespmem:$0x14280] =	vst v63  }
0xd: {  	s8 =	smul.u32 $0x5000, s8;
	_ =	swait.ge [sflag:s7], $0x14000  }
0xe: {  	s13 =	sadd.s32 $0x188E00, s9;
	[sflag:s7] =	ssyncset.done $0x0  }
0xf: {  	s8 =	sadd.s32 s13, s8;
	[sflag:s7] =	ssyncadd.s32 $0xFFFEC000  }
0x10: {  	[hbm4b:s8+s2] =	stream.linear.scatter [tilespmem:s6], [sflag:$0x2], $0x14000, $0x38;
	[tilespmem:$0x14280] =	vst v63  }
0x11: {  	s11 =	sadd.s32 $0x280, s11;
	_ =	swait.ge [sflag:s3], $0x14000  }
0x12: {  	s28 =	sshrl.u32 s11, $0x3;
	[sflag:s3] =	ssyncset.done $0x0  }
0x13: {  	s10 =	ssub.s32 $0x2, s10;
	s9 =	sadd.s32 s12, s28;
	[sflag:s3] =	ssyncadd.s32 $0xFFFEC000  }
0x14: {  	[tilespmem:s2], [sflag:$0x2] =	stream.linear.gather [hbm4b:s9+s2], $0x280, $0x38;
	[tilespmem:$0x14280] =	vst v63  }
0x15: {  	s29 =	sshrl.u32 s10, $0x1;
	_ =	swait.ge [sflag:s3], $0x280  }
0x16: {  	s12 =	ssub.s32 s10, s29;
	[sflag:s3] =	ssyncset.done $0x0  }
0x17: {  	s31 =	smax.u32 s12, $0x1;
	[sflag:s3] =	ssyncadd.s32 $0xFFFFFD80  }
0x18: {  	[tilespmem:s6], [sflag:$0x1] =	stream.indirect.gather [hbm4b:s5+s6], $0x80, s2, s6, $0xb8;
	[tilespmem:$0x14280] =	vst v63  }
0x19: {  	p0 =	sne.s32 s31, $0x1;
	_ =	swait.ge [sflag:s7], $0x14000  }
.Ltmp0:
0x1a: {  	s30 =	sshll.u32 s11, $0x4;
	[sflag:s7] =	ssyncset.done $0x0;
	(pc) =	sbr.rel @!p0 .LBB2_2-.Ltmp0, $4  }
0x1b: {  	s10 =	sadd.s32 s13, s30;
	[sflag:s7] =	ssyncadd.s32 $0xFFFEC000  }
0x1c: {  	[hbm4b:s10+s2] =	stream.linear.scatter [tilespmem:s6], [sflag:$0x2], $0x14000, $0x38;
	[tilespmem:$0x14280] =	vst v63  }
0x1d: {  	_ =	swait.ge [sflag:s3], $0x14000  }
0x1e: {  	s11 =	sadd.s32 $0xFFFFFFFF, s31;
	[sflag:s3] =	ssyncset.done $0x0  }
.LBB2_1:
0x1f: {  	p0 =	sne.s32 s11, $0x1;
	s11 =	sadd.s32 $0xFFFFFFFF, s11;
	[sflag:s3] =	ssyncadd.s32 $0xFFFEC000  }
0x20: {  	[tilespmem:s2], [sflag:$0x2] =	stream.linear.gather [hbm4b:s4+s2], $0x280, $0x38;
	[tilespmem:$0x14280] =	vst v63  }
0x21: {  	_ =	swait.ge [sflag:s3], $0x280  }
0x22: {  	[sflag:s3] =	ssyncset.done $0x0  }
0x23: {  	[sflag:s3] =	ssyncadd.s32 $0xFFFFFD80  }
0x24: {  	[tilespmem:s6], [sflag:$0x1] =	stream.indirect.gather [hbm4b:s5+s6], $0x80, s2, s6, $0xb8;
	[tilespmem:$0x14280] =	vst v63  }
0x25: {  	_ =	swait.ge [sflag:s7], $0x14000  }
0x26: {  	[sflag:s7] =	ssyncset.done $0x0  }
0x27: {  	[sflag:s7] =	ssyncadd.s32 $0xFFFEC000  }
0x28: {  	[hbm4b:s8+s2] =	stream.linear.scatter [tilespmem:s6], [sflag:$0x2], $0x14000, $0x38;
	[tilespmem:$0x14280] =	vst v63  }
0x29: {  	_ =	swait.ge [sflag:s3], $0x14000  }
0x2a: {  	[sflag:s3] =	ssyncset.done $0x0  }
0x2b: {  	[sflag:s3] =	ssyncadd.s32 $0xFFFEC000  }
0x2c: {  	[tilespmem:s2], [sflag:$0x2] =	stream.linear.gather [hbm4b:s9+s2], $0x280, $0x38;
	[tilespmem:$0x14280] =	vst v63  }
0x2d: {  	_ =	swait.ge [sflag:s3], $0x280  }
0x2e: {  	[sflag:s3] =	ssyncset.done $0x0  }
0x2f: {  	[sflag:s3] =	ssyncadd.s32 $0xFFFFFD80  }
0x30: {  	[tilespmem:s6], [sflag:$0x1] =	stream.indirect.gather [hbm4b:s5+s6], $0x80, s2, s6, $0xb8;
	[tilespmem:$0x14280] =	vst v63  }
0x31: {  	_ =	swait.ge [sflag:s7], $0x14000  }
.Ltmp1:
0x32: {  	[sflag:s7] =	ssyncset.done $0x0;
	(pc) =	sbr.rel @p0 .LBB2_1-.Ltmp1, $4  }
0x33: {  	[sflag:s7] =	ssyncadd.s32 $0xFFFEC000  }
0x34: {  	[hbm4b:s10+s2] =	stream.linear.scatter [tilespmem:s6], [sflag:$0x2], $0x14000, $0x38;
	[tilespmem:$0x14280] =	vst v63  }
0x35: {  	_ =	swait.ge [sflag:s3], $0x14000  }
0x36: {  	[sflag:s3] =	ssyncset.done $0x0  }
.LBB2_2:
0x37: {  	[sflag:s3] =	ssyncadd.s32 $0xFFFEC000  }
0x38: {  	_ =	sfence.sel $0x180000  }
0x39: {  	[bflag:$0x0] =	sbarrier.arrive $0xFFFF  }
0x3a: {  	p0 =	sne.s32 s0, $0x0;
	_ =	strace $0x90000047  }
0x3b: {  	s0 =	sadd.s32 @!p0 $0x100000, s1;
	[bflag:$0x2] =	sbarrier.arrive $0xFFFF  }
0x3c: {  	[sflag:s0] =	ssyncadd.tile.s32 @!p0 $0x1;
	_ =	shalt  }
.Lfunc_end2:
_tile_overlayer_lowered:
.L_overlay_start_2:
0x3d: {  	(tag) =	ssettag $0x2  }
0x3e: {  	s0 =	rddreg [dreg:$0x0];
	s2 =	stileid.u32  }
0x3f: {  	s1 =	rddreg [dreg:$0x1];
	p0 =	sne.s32 s2, $0x0  }
0x40: {  	s3 =	rddreg [dreg:$0x2];
	[bflag:$0x3] =	sbarrier.arrive $0xFFFF;
	s2 =	simm.s32 @!p0 $0x1C02  }
0x41: {  	[timem:s3], [sflag:s2] =	dma.local @!p0 [hbm:s0], s1  }
0x42: {  	s0 =	simm.s32 @!p0 $0x2  }
0x43: {  	_ =	swait.ge @!p0 [sflag:s0], s1  }
0x44: {  	s1 =	ssub.s32 @!p0 $0x0, s1;
	[sflag:s0] =	ssyncset.done @!p0 $0x0  }
0x45: {  	[sflag:s0] =	ssyncadd.s32 @!p0 s1  }
0x46: {  	[bflag:$0x3] =	sbarrier.arrive $0xFFFF  }
0x47: {  	_ =	shalt  }

</sc_bundles>
